<compile_context>
chip_gen: v7x
topology: tpu7x:2x2x1
jax: 0.10.2.dev20260603
libtpu: 0.0.44.dev20260713+nightly
codegen_flags: <defaults>
</compile_context>

<pallas_src>
import functools

import jax
import jax.numpy as jnp
from jax import lax
from jax.experimental import pallas as pl
from jax.experimental.pallas import tpu as pltpu
from jax.experimental.pallas import tpu_sc as plsc

EMBED_DIM = 32
NUM_CORES = 2
NUM_SUBCORES = 16
NUM_WORKERS = NUM_CORES * NUM_SUBCORES
BATCH = 16384
HIST = 50
HIST_PAD = 128
VPAD = 100096
BC = 128
NCHUNK = BATCH // BC

_MESH = plsc.VectorSubcoreMesh(
    core_axis_name="c", subcore_axis_name="s",
    num_cores=NUM_CORES, num_subcores=NUM_SUBCORES,
)


@functools.partial(
    pl.kernel,
    mesh=_MESH,
    compiler_params=pltpu.CompilerParams(use_tc_tiling_on_sc=False, needs_layout_passes=False),
    out_type=jax.ShapeDtypeStruct((HIST, EMBED_DIM, BATCH), jnp.float32),
    scratch_types=[
        pltpu.VMEM((VPAD,), jnp.float32),
        pltpu.VMEM((2, HIST, BC), jnp.int32),
        pltpu.VMEM((2, HIST, BC), jnp.float32),
        pltpu.SemaphoreType.DMA,
        pltpu.SemaphoreType.DMA,
        pltpu.SemaphoreType.DMA,
    ],
)
def _gather_t(idx_hbm, table_hbm, out_hbm, row_v, idx_v, out_v,
              rsem, isem, osem):
  d = lax.axis_index("s") * NUM_CORES + lax.axis_index("c")

  def fire_idx(g, slot):
    pltpu.async_copy(idx_hbm.at[:, pl.ds(g * BC, BC)], idx_v.at[slot], isem)

  def wait_idx(slot):
    pltpu.make_async_copy(idx_hbm.at[:, pl.ds(0, BC)], idx_v.at[slot],
                          isem).wait()

  def wait_out():
    pltpu.make_async_copy(out_v.at[0], out_hbm.at[:, 0, pl.ds(0, BC)],
                          osem).wait()

  pltpu.async_copy(table_hbm.at[d], row_v, rsem)
  fire_idx(0, 0)
  pltpu.make_async_copy(table_hbm.at[d], row_v, rsem).wait()

  @pl.loop(0, NCHUNK)
  def _chunk(g):
    s = g % 2

    @pl.when(g + 1 < NCHUNK)
    def _():
      fire_idx(g + 1, 1 - s)

    wait_idx(s)

    @pl.when(g >= 2)
    def _():
      wait_out()

    idx_s = idx_v.at[s]
    out_s = out_v.at[s]

    @plsc.parallel_loop(0, HIST * (BC // 16), unroll=8)
    def _k(k):
      h = k // (BC // 16)
      bs = k % (BC // 16)
      v = idx_s[h, pl.ds(bs * 16, 16)]
      vals = plsc.load_gather(row_v, [v])
      out_s[h, pl.ds(bs * 16, 16)] = vals

    pltpu.async_copy(out_v.at[s], out_hbm.at[:, d, pl.ds(g * BC, BC)], osem)

  wait_out()
  wait_out()


def kernel(skills, embedding_table):
  idx_p = skills.T
  table_t = jnp.pad(embedding_table.T,
                    ((0, 0), (0, VPAD - embedding_table.shape[0])))
  out = _gather_t(idx_p, table_t)
  return jnp.transpose(out, (2, 0, 1))

# --- scband reference (transcript-rebuilt; emitter-appended) ---
"""Pipeline reference for scband-candidate-model-18468359373341 (READ-ONLY COPY).

The authoritative reference and input builder live on the scoring server;
editing this copy changes nothing except your own understanding.
"""

import jax, jax.numpy as jnp
import numpy as np

VOCAB = 100000  # len(unique_user_skills)
EMBED_DIM = 32
BATCH = 16384
HIST_LEN = 50


def setup_inputs(seed: int = 0) -> dict:
    key = jax.random.key(seed)
    k1, k2 = jax.random.split(key)
    # StringLookup maps strings -> int ids in [0, VOCAB+1) (index 0 is OOV).
    # We model the post-lookup integer ids directly.
    skills = jax.random.randint(k1, (BATCH, HIST_LEN), 0, VOCAB + 1, dtype=jnp.int32)
    # Embedding table has VOCAB+1 rows (one extra for the OOV token).
    embedding_table = jax.random.normal(k2, (VOCAB + 1, EMBED_DIM), dtype=jnp.float32) * 0.05
    return {"skills": skills, "embedding_table": embedding_table}


def reference(skills, embedding_table):
    # tf.keras.layers.Embedding lookup == row gather from the table
    return jnp.take(embedding_table, skills, axis=0)

if __name__ == "__main__":
    import jax
    _d = setup_inputs()
    print(jax.jit(kernel)(*tuple(_d.values())))

</pallas_src>

<mosaic_0001>
#map = affine_map<(d0, d1) -> (0, 0)>
#map1 = affine_map<(d0, d1) -> (0, 0, 0)>
module attributes {stable_mosaic.version = 14 : i64} {
  func.func @_gather_t(%arg0: i32, %arg1: i32, %arg2: memref<50x16384xi32, #tpu.memory_space<hbm>>, %arg3: memref<32x100096xf32, #tpu.memory_space<hbm>>, %arg4: memref<50x32x16384xf32, #tpu.memory_space<hbm>>, %arg5: memref<100096xf32, #tpu.memory_space<vmem>>, %arg6: memref<2x50x128xi32, #tpu.memory_space<vmem>>, %arg7: memref<2x50x128xf32, #tpu.memory_space<vmem>>, %arg8: memref<!tpu.dma_semaphore, #tpu.memory_space<semaphore_mem>>, %arg9: memref<!tpu.dma_semaphore, #tpu.memory_space<semaphore_mem>>, %arg10: memref<!tpu.dma_semaphore, #tpu.memory_space<semaphore_mem>>) attributes {dimension_semantics = [#tpu.dimension_semantics<core_parallel>, #tpu.dimension_semantics<subcore_parallel>], iteration_bounds = array<i64: 2, 16>, scalar_prefetch = 0 : i64, scratch_operands = 6 : i64, tpu.core_type = #tpu.core_type<sc_vector_subcore>, window_params = [{transform_indices = #map}, {transform_indices = #map}, {transform_indices = #map1}]} {
    %mul3A = arith.constant 2 : i32
    %mul3A_0 = arith.muli %arg1, %mul3A : i32
    %add3A = arith.addi %mul3A_0, %arg0 : i32
    %dma_start3A = arith.constant 0 : i32
    %dma_start3A_1 = tpu.memref_slice %arg3[%add3A, %dma_start3A] : memref<32x100096xf32, #tpu.memory_space<hbm>> -> memref<1x100096xf32, #tpu.memory_space<hbm>>
    %dma_start3A_2 = tpu.memref_squeeze %dma_start3A_1 : memref<1x100096xf32, #tpu.memory_space<hbm>> -> memref<100096xf32, #tpu.memory_space<hbm>>
    %dma_start3A_3 = arith.constant 0 : i32
    %dma_start3A_4 = tpu.memref_slice %arg3[%add3A, %dma_start3A_3] : memref<32x100096xf32, #tpu.memory_space<hbm>> -> memref<1x100096xf32, #tpu.memory_space<hbm>>
    %dma_start3A_5 = tpu.memref_squeeze %dma_start3A_4 : memref<1x100096xf32, #tpu.memory_space<hbm>> -> memref<100096xf32, #tpu.memory_space<hbm>>
    tpu.enqueue_dma source(%dma_start3A_5 : memref<100096xf32, #tpu.memory_space<hbm>>) target(%arg5 : memref<100096xf32, #tpu.memory_space<vmem>>) target_semaphore(%arg8 : memref<!tpu.dma_semaphore, #tpu.memory_space<semaphore_mem>>)
    %dma_start3A_6 = arith.constant 0 : i32
    %dma_start3A_7 = arith.constant 0 : i32
    %dma_start3A_8 = arith.constant 0 : i32
    %dma_start3A_9 = tpu.memref_slice %arg6[%dma_start3A_6, %dma_start3A_7, %dma_start3A_8] : memref<2x50x128xi32, #tpu.memory_space<vmem>> -> memref<1x50x128xi32, #tpu.memory_space<vmem>>
    %dma_start3A_10 = tpu.memref_squeeze %dma_start3A_9 : memref<1x50x128xi32, #tpu.memory_space<vmem>> -> memref<50x128xi32, #tpu.memory_space<vmem>>
    %dma_start3A_11 = arith.constant 0 : i32
    %dma_start3A_12 = arith.constant 0 : i32
    %dma_start3A_13 = tpu.memref_slice %arg2[%dma_start3A_11, %dma_start3A_12] : memref<50x16384xi32, #tpu.memory_space<hbm>> -> memref<50x128xi32, #tpu.memory_space<hbm>>
    %dma_start3A_14 = arith.constant 0 : i32
    %dma_start3A_15 = arith.constant 0 : i32
    %dma_start3A_16 = tpu.memref_slice %arg6[%dma_start3A_6, %dma_start3A_14, %dma_start3A_15] : memref<2x50x128xi32, #tpu.memory_space<vmem>> -> memref<1x50x128xi32, #tpu.memory_space<vmem>>
    %dma_start3A_17 = tpu.memref_squeeze %dma_start3A_16 : memref<1x50x128xi32, #tpu.memory_space<vmem>> -> memref<50x128xi32, #tpu.memory_space<vmem>>
    %dma_start3A_18 = arith.constant 0 : i32
    %dma_start3A_19 = arith.constant 0 : i32
    %dma_start3A_20 = tpu.memref_slice %arg2[%dma_start3A_18, %dma_start3A_19] : memref<50x16384xi32, #tpu.memory_space<hbm>> -> memref<50x128xi32, #tpu.memory_space<hbm>>
    tpu.enqueue_dma source(%dma_start3A_20 : memref<50x128xi32, #tpu.memory_space<hbm>>) target(%dma_start3A_17 : memref<50x128xi32, #tpu.memory_space<vmem>>) target_semaphore(%arg9 : memref<!tpu.dma_semaphore, #tpu.memory_space<semaphore_mem>>)
    %dma_wait3A = arith.constant 0 : i32
    %dma_wait3A_21 = tpu.memref_slice %arg3[%add3A, %dma_wait3A] : memref<32x100096xf32, #tpu.memory_space<hbm>> -> memref<1x100096xf32, #tpu.memory_space<hbm>>
    %dma_wait3A_22 = tpu.memref_squeeze %dma_wait3A_21 : memref<1x100096xf32, #tpu.memory_space<hbm>> -> memref<100096xf32, #tpu.memory_space<hbm>>
    %dma_wait3A_23 = arith.constant 0 : i32
    %dma_wait3A_24 = tpu.memref_slice %arg3[%add3A, %dma_wait3A_23] : memref<32x100096xf32, #tpu.memory_space<hbm>> -> memref<1x100096xf32, #tpu.memory_space<hbm>>
    %dma_wait3A_25 = tpu.memref_squeeze %dma_wait3A_24 : memref<1x100096xf32, #tpu.memory_space<hbm>> -> memref<100096xf32, #tpu.memory_space<hbm>>
    tpu.wait_dma2 semaphore(%arg8 : memref<!tpu.dma_semaphore, #tpu.memory_space<semaphore_mem>>) src(%dma_wait3A_25 : memref<100096xf32, #tpu.memory_space<hbm>>) dst(%arg5 : memref<100096xf32, #tpu.memory_space<vmem>>)
    %scan3A = arith.constant 0 : i32
    %scan3A_26 = arith.constant 128 : i32
    %scan3A_27 = arith.addi %scan3A, %scan3A_26 : i32
    %scan3A_28 = arith.constant 1 : i32
    scf.for %scan3A_66 = %scan3A to %scan3A_27 step %scan3A_28  : i32 {
      %mul3A_67 = arith.constant 1 : i32
      %mul3A_68 = arith.muli %scan3A_66, %mul3A_67 : i32
      %add3A_69 = arith.constant 0 : i32
      %add3A_70 = arith.addi %add3A_69, %mul3A_68 : i32
      %jit3A = arith.constant 2 : i32
      %eq3A = arith.constant 0 : i32
      %eq3A_71 = arith.cmpi eq, %jit3A, %eq3A : i32
      %jit3A_72 = arith.constant 1 : i32
      %select_n3A = arith.select %eq3A_71, %jit3A_72, %jit3A : i32
      %rem3A = arith.remsi %add3A_70, %select_n3A : i32
      %ne3A = arith.constant 0 : i32
      %ne3A_73 = arith.cmpi ne, %rem3A, %ne3A : i32
      %lt3A = arith.constant 0 : i32
      %lt3A_74 = arith.cmpi slt, %rem3A, %lt3A : i32
      %lt3A_75 = arith.constant 0 : i32
      %lt3A_76 = arith.cmpi slt, %select_n3A, %lt3A_75 : i32
      %ne3A_77 = arith.xori %lt3A_74, %lt3A_76 : i1
      %and3A = arith.andi %ne3A_77, %ne3A_73 : i1
      %add3A_78 = arith.addi %rem3A, %select_n3A : i32
      %select_n3A_79 = arith.select %and3A, %add3A_78, %rem3A : i32
      %add3A_80 = arith.constant 1 : i32
      %add3A_81 = arith.addi %add3A_70, %add3A_80 : i32
      %lt3A_82 = arith.constant 128 : i32
      %lt3A_83 = arith.cmpi slt, %add3A_81, %lt3A_82 : i32
      %convert_element_type3A = arith.extui %lt3A_83 : i1 to i32
      %cond3A = arith.constant 0 : i32
      %cond3A_84 = arith.cmpi ne, %convert_element_type3A, %cond3A : i32
      scf.if %cond3A_84 {
        %add3A_121 = arith.constant 1 : i32
        %add3A_122 = arith.addi %add3A_70, %add3A_121 : i32
        %sub3A = arith.constant 1 : i32
        %sub3A_123 = arith.subi %sub3A, %select_n3A_79 : i32
        %mul3A_124 = arith.constant 128 : i32
        %mul3A_125 = arith.muli %add3A_122, %mul3A_124 : i32
        %dma_start3A_126 = arith.constant 0 : i32
        %dma_start3A_127 = arith.constant 0 : i32
        %dma_start3A_128 = tpu.memref_slice %arg6[%sub3A_123, %dma_start3A_126, %dma_start3A_127] : memref<2x50x128xi32, #tpu.memory_space<vmem>> -> memref<1x50x128xi32, #tpu.memory_space<vmem>>
        %dma_start3A_129 = tpu.memref_squeeze %dma_start3A_128 : memref<1x50x128xi32, #tpu.memory_space<vmem>> -> memref<50x128xi32, #tpu.memory_space<vmem>>
        %dma_start3A_130 = arith.constant 0 : i32
        %dma_start3A_131 = tpu.memref_slice %arg2[%dma_start3A_130, %mul3A_125] : memref<50x16384xi32, #tpu.memory_space<hbm>> -> memref<50x128xi32, #tpu.memory_space<hbm>>
        %dma_start3A_132 = arith.constant 0 : i32
        %dma_start3A_133 = arith.constant 0 : i32
        %dma_start3A_134 = tpu.memref_slice %arg6[%sub3A_123, %dma_start3A_132, %dma_start3A_133] : memref<2x50x128xi32, #tpu.memory_space<vmem>> -> memref<1x50x128xi32, #tpu.memory_space<vmem>>
        %dma_start3A_135 = tpu.memref_squeeze %dma_start3A_134 : memref<1x50x128xi32, #tpu.memory_space<vmem>> -> memref<50x128xi32, #tpu.memory_space<vmem>>
        %dma_start3A_136 = arith.constant 0 : i32
        %dma_start3A_137 = tpu.memref_slice %arg2[%dma_start3A_136, %mul3A_125] : memref<50x16384xi32, #tpu.memory_space<hbm>> -> memref<50x128xi32, #tpu.memory_space<hbm>>
        tpu.enqueue_dma source(%dma_start3A_137 : memref<50x128xi32, #tpu.memory_space<hbm>>) target(%dma_start3A_135 : memref<50x128xi32, #tpu.memory_space<vmem>>) target_semaphore(%arg9 : memref<!tpu.dma_semaphore, #tpu.memory_space<semaphore_mem>>)
      } else {
      }
      %dma_wait3A_85 = arith.constant 0 : i32
      %dma_wait3A_86 = arith.constant 0 : i32
      %dma_wait3A_87 = tpu.memref_slice %arg6[%select_n3A_79, %dma_wait3A_85, %dma_wait3A_86] : memref<2x50x128xi32, #tpu.memory_space<vmem>> -> memref<1x50x128xi32, #tpu.memory_space<vmem>>
      %dma_wait3A_88 = tpu.memref_squeeze %dma_wait3A_87 : memref<1x50x128xi32, #tpu.memory_space<vmem>> -> memref<50x128xi32, #tpu.memory_space<vmem>>
      %dma_wait3A_89 = arith.constant 0 : i32
      %dma_wait3A_90 = arith.constant 0 : i32
      %dma_wait3A_91 = tpu.memref_slice %arg2[%dma_wait3A_89, %dma_wait3A_90] : memref<50x16384xi32, #tpu.memory_space<hbm>> -> memref<50x128xi32, #tpu.memory_space<hbm>>
      %dma_wait3A_92 = arith.constant 0 : i32
      %dma_wait3A_93 = arith.constant 0 : i32
      %dma_wait3A_94 = tpu.memref_slice %arg6[%select_n3A_79, %dma_wait3A_92, %dma_wait3A_93] : memref<2x50x128xi32, #tpu.memory_space<vmem>> -> memref<1x50x128xi32, #tpu.memory_space<vmem>>
      %dma_wait3A_95 = tpu.memref_squeeze %dma_wait3A_94 : memref<1x50x128xi32, #tpu.memory_space<vmem>> -> memref<50x128xi32, #tpu.memory_space<vmem>>
      %dma_wait3A_96 = arith.constant 0 : i32
      %dma_wait3A_97 = arith.constant 0 : i32
      %dma_wait3A_98 = tpu.memref_slice %arg2[%dma_wait3A_96, %dma_wait3A_97] : memref<50x16384xi32, #tpu.memory_space<hbm>> -> memref<50x128xi32, #tpu.memory_space<hbm>>
      tpu.wait_dma2 semaphore(%arg9 : memref<!tpu.dma_semaphore, #tpu.memory_space<semaphore_mem>>) src(%dma_wait3A_98 : memref<50x128xi32, #tpu.memory_space<hbm>>) dst(%dma_wait3A_95 : memref<50x128xi32, #tpu.memory_space<vmem>>)
      %ge3A = arith.constant 2 : i32
      %ge3A_99 = arith.cmpi sge, %add3A_70, %ge3A : i32
      %convert_element_type3A_100 = arith.extui %ge3A_99 : i1 to i32
      %cond3A_101 = arith.constant 0 : i32
      %cond3A_102 = arith.cmpi ne, %convert_element_type3A_100, %cond3A_101 : i32
      scf.if %cond3A_102 {
        %dma_wait3A_121 = arith.constant 0 : i32
        %dma_wait3A_122 = arith.constant 0 : i32
        %dma_wait3A_123 = arith.constant 0 : i32
        %dma_wait3A_124 = arith.constant 0 : i32
        %dma_wait3A_125 = tpu.memref_slice %arg7[%dma_wait3A_121, %dma_wait3A_123, %dma_wait3A_124] : memref<2x50x128xf32, #tpu.memory_space<vmem>> -> memref<1x50x128xf32, #tpu.memory_space<vmem>>
        %dma_wait3A_126 = tpu.memref_squeeze %dma_wait3A_125 : memref<1x50x128xf32, #tpu.memory_space<vmem>> -> memref<50x128xf32, #tpu.memory_space<vmem>>
        %dma_wait3A_127 = arith.constant 0 : i32
        %dma_wait3A_128 = arith.constant 0 : i32
        %dma_wait3A_129 = tpu.memref_slice %arg4[%dma_wait3A_127, %dma_wait3A_122, %dma_wait3A_128] : memref<50x32x16384xf32, #tpu.memory_space<hbm>> -> memref<50x1x128xf32, #tpu.memory_space<hbm>>
        %dma_wait3A_130 = tpu.memref_squeeze %dma_wait3A_129 : memref<50x1x128xf32, #tpu.memory_space<hbm>> -> memref<50x128xf32, #tpu.memory_space<hbm>>
        %dma_wait3A_131 = arith.constant 0 : i32
        %dma_wait3A_132 = arith.constant 0 : i32
        %dma_wait3A_133 = tpu.memref_slice %arg4[%dma_wait3A_131, %dma_wait3A_122, %dma_wait3A_132] : memref<50x32x16384xf32, #tpu.memory_space<hbm>> -> memref<50x1x128xf32, #tpu.memory_space<hbm>>
        %dma_wait3A_134 = tpu.memref_squeeze %dma_wait3A_133 : memref<50x1x128xf32, #tpu.memory_space<hbm>> -> memref<50x128xf32, #tpu.memory_space<hbm>>
        %dma_wait3A_135 = arith.constant 0 : i32
        %dma_wait3A_136 = arith.constant 0 : i32
        %dma_wait3A_137 = tpu.memref_slice %arg7[%dma_wait3A_121, %dma_wait3A_135, %dma_wait3A_136] : memref<2x50x128xf32, #tpu.memory_space<vmem>> -> memref<1x50x128xf32, #tpu.memory_space<vmem>>
        %dma_wait3A_138 = tpu.memref_squeeze %dma_wait3A_137 : memref<1x50x128xf32, #tpu.memory_space<vmem>> -> memref<50x128xf32, #tpu.memory_space<vmem>>
        tpu.wait_dma2 semaphore(%arg10 : memref<!tpu.dma_semaphore, #tpu.memory_space<semaphore_mem>>) src(%dma_wait3A_138 : memref<50x128xf32, #tpu.memory_space<vmem>>) dst(%dma_wait3A_134 : memref<50x128xf32, #tpu.memory_space<hbm>>)
      } else {
      }
      %parallel_loop3A = arith.constant 0 : i32
      %parallel_loop3A_103 = arith.constant 400 : i32
      %parallel_loop3A_104 = arith.constant 1 : i32
      scf.for %parallel_loop3A_121 = %parallel_loop3A to %parallel_loop3A_103 step %parallel_loop3A_104  : i32 {
        %parallel_loop3A_122 = arith.constant 8 : i32
        %parallel_loop3A_123 = arith.divsi %parallel_loop3A_121, %parallel_loop3A_122 : i32
        %parallel_loop3A_124 = arith.constant 0 : i32
        %parallel_loop3A_125 = arith.cmpi sgt, %parallel_loop3A_121, %parallel_loop3A_124 : i32
        %parallel_loop3A_126 = arith.extui %parallel_loop3A_125 : i1 to i32
        %parallel_loop3A_127 = arith.constant 0 : i32
        %parallel_loop3A_128 = arith.cmpi slt, %parallel_loop3A_121, %parallel_loop3A_127 : i32
        %parallel_loop3A_129 = arith.extui %parallel_loop3A_128 : i1 to i32
        %parallel_loop3A_130 = arith.subi %parallel_loop3A_126, %parallel_loop3A_129 : i32
        %parallel_loop3A_131 = arith.constant 0 : i32
        %parallel_loop3A_132 = arith.cmpi sgt, %parallel_loop3A_122, %parallel_loop3A_131 : i32
        %parallel_loop3A_133 = arith.extui %parallel_loop3A_132 : i1 to i32
        %parallel_loop3A_134 = arith.constant 0 : i32
        %parallel_loop3A_135 = arith.cmpi slt, %parallel_loop3A_122, %parallel_loop3A_134 : i32
        %parallel_loop3A_136 = arith.extui %parallel_loop3A_135 : i1 to i32
        %parallel_loop3A_137 = arith.subi %parallel_loop3A_133, %parallel_loop3A_136 : i32
        %parallel_loop3A_138 = arith.cmpi ne, %parallel_loop3A_130, %parallel_loop3A_137 : i32
        %parallel_loop3A_139 = arith.remsi %parallel_loop3A_121, %parallel_loop3A_122 : i32
        %parallel_loop3A_140 = arith.constant 0 : i32
        %parallel_loop3A_141 = arith.cmpi ne, %parallel_loop3A_139, %parallel_loop3A_140 : i32
        %parallel_loop3A_142 = arith.andi %parallel_loop3A_138, %parallel_loop3A_141 : i1
        %parallel_loop3A_143 = arith.constant 1 : i32
        %parallel_loop3A_144 = arith.subi %parallel_loop3A_123, %parallel_loop3A_143 : i32
        %parallel_loop3A_145 = arith.select %parallel_loop3A_142, %parallel_loop3A_144, %parallel_loop3A_123 : i32
        %parallel_loop3A_146 = arith.constant 8 : i32
        %parallel_loop3A_147 = arith.constant 0 : i32
        %parallel_loop3A_148 = arith.cmpi eq, %parallel_loop3A_146, %parallel_loop3A_147 : i32
        %parallel_loop3A_149 = arith.constant 1 : i32
        %parallel_loop3A_150 = arith.select %parallel_loop3A_148, %parallel_loop3A_149, %parallel_loop3A_146 : i32
        %parallel_loop3A_151 = arith.remsi %parallel_loop3A_121, %parallel_loop3A_150 : i32
        %parallel_loop3A_152 = arith.constant 0 : i32
        %parallel_loop3A_153 = arith.cmpi ne, %parallel_loop3A_151, %parallel_loop3A_152 : i32
        %parallel_loop3A_154 = arith.constant 0 : i32
        %parallel_loop3A_155 = arith.cmpi slt, %parallel_loop3A_151, %parallel_loop3A_154 : i32
        %parallel_loop3A_156 = arith.constant 0 : i32
        %parallel_loop3A_157 = arith.cmpi slt, %parallel_loop3A_150, %parallel_loop3A_156 : i32
        %parallel_loop3A_158 = arith.xori %parallel_loop3A_155, %parallel_loop3A_157 : i1
        %parallel_loop3A_159 = arith.andi %parallel_loop3A_158, %parallel_loop3A_153 : i1
        %parallel_loop3A_160 = arith.addi %parallel_loop3A_151, %parallel_loop3A_150 : i32
        %parallel_loop3A_161 = arith.select %parallel_loop3A_159, %parallel_loop3A_160, %parallel_loop3A_151 : i32
        %parallel_loop3A_162 = arith.constant 16 : i32
        %parallel_loop3A_163 = arith.muli %parallel_loop3A_161, %parallel_loop3A_162 : i32
        %parallel_loop3A_164 = arith.constant 0 : i32
        %parallel_loop3A_165 = arith.constant 0 : i32
        %parallel_loop3A_166 = tpu.memref_slice %arg6[%select_n3A_79, %parallel_loop3A_164, %parallel_loop3A_165] : memref<2x50x128xi32, #tpu.memory_space<vmem>> -> memref<1x50x128xi32, #tpu.memory_space<vmem>>
        %parallel_loop3A_167 = tpu.memref_squeeze %parallel_loop3A_166 : memref<1x50x128xi32, #tpu.memory_space<vmem>> -> memref<50x128xi32, #tpu.memory_space<vmem>>
        %parallel_loop3A_168 = arith.index_cast %parallel_loop3A_145 : i32 to index
        %parallel_loop3A_169 = arith.index_cast %parallel_loop3A_163 : i32 to index
        %parallel_loop3A_170 = tpu.vector_load %parallel_loop3A_167[%parallel_loop3A_168, %parallel_loop3A_169] {strides = array<i32>} : memref<50x128xi32, #tpu.memory_space<vmem>>, vector<16xi32>,
        %parallel_loop3A_171 = tpu.vector_load_idx %arg5[%parallel_loop3A_170] : memref<100096xf32, #tpu.memory_space<vmem>>[vector<16xi32>], vector<16xf32>,
        %parallel_loop3A_172 = arith.constant 16 : i32
        %parallel_loop3A_173 = arith.muli %parallel_loop3A_161, %parallel_loop3A_172 : i32
        %parallel_loop3A_174 = arith.constant 0 : i32
        %parallel_loop3A_175 = arith.constant 0 : i32
        %parallel_loop3A_176 = tpu.memref_slice %arg7[%select_n3A_79, %parallel_loop3A_174, %parallel_loop3A_175] : memref<2x50x128xf32, #tpu.memory_space<vmem>> -> memref<1x50x128xf32, #tpu.memory_space<vmem>>
        %parallel_loop3A_177 = tpu.memref_squeeze %parallel_loop3A_176 : memref<1x50x128xf32, #tpu.memory_space<vmem>> -> memref<50x128xf32, #tpu.memory_space<vmem>>
        %parallel_loop3A_178 = arith.index_cast %parallel_loop3A_145 : i32 to index
        %parallel_loop3A_179 = arith.index_cast %parallel_loop3A_173 : i32 to index
        %parallel_loop3A_180 = tpu.vector_load %parallel_loop3A_177[%parallel_loop3A_178, %parallel_loop3A_179] {strides = array<i32>} : memref<50x128xf32, #tpu.memory_space<vmem>>, vector<16xf32>,
        tpu.vector_store %parallel_loop3A_177[%parallel_loop3A_178, %parallel_loop3A_179], %parallel_loop3A_171 {strides = array<i32>} : memref<50x128xf32, #tpu.memory_space<vmem>>, vector<16xf32>,
      } {sc.loop_unroll_factor = 8 : i64, sc.parallel_access}
      %mul3A_105 = arith.constant 128 : i32
      %mul3A_106 = arith.muli %add3A_70, %mul3A_105 : i32
      %dma_start3A_107 = arith.constant 0 : i32
      %dma_start3A_108 = arith.constant 0 : i32
      %dma_start3A_109 = tpu.memref_slice %arg7[%select_n3A_79, %dma_start3A_107, %dma_start3A_108] : memref<2x50x128xf32, #tpu.memory_space<vmem>> -> memref<1x50x128xf32, #tpu.memory_space<vmem>>
      %dma_start3A_110 = tpu.memref_squeeze %dma_start3A_109 : memref<1x50x128xf32, #tpu.memory_space<vmem>> -> memref<50x128xf32, #tpu.memory_space<vmem>>
      %dma_start3A_111 = arith.constant 0 : i32
      %dma_start3A_112 = tpu.memref_slice %arg4[%dma_start3A_111, %add3A, %mul3A_106] : memref<50x32x16384xf32, #tpu.memory_space<hbm>> -> memref<50x1x128xf32, #tpu.memory_space<hbm>>
      %dma_start3A_113 = tpu.memref_squeeze %dma_start3A_112 : memref<50x1x128xf32, #tpu.memory_space<hbm>> -> memref<50x128xf32, #tpu.memory_space<hbm>>
      %dma_start3A_114 = arith.constant 0 : i32
      %dma_start3A_115 = tpu.memref_slice %arg4[%dma_start3A_114, %add3A, %mul3A_106] : memref<50x32x16384xf32, #tpu.memory_space<hbm>> -> memref<50x1x128xf32, #tpu.memory_space<hbm>>
      %dma_start3A_116 = tpu.memref_squeeze %dma_start3A_115 : memref<50x1x128xf32, #tpu.memory_space<hbm>> -> memref<50x128xf32, #tpu.memory_space<hbm>>
      %dma_start3A_117 = arith.constant 0 : i32
      %dma_start3A_118 = arith.constant 0 : i32
      %dma_start3A_119 = tpu.memref_slice %arg7[%select_n3A_79, %dma_start3A_117, %dma_start3A_118] : memref<2x50x128xf32, #tpu.memory_space<vmem>> -> memref<1x50x128xf32, #tpu.memory_space<vmem>>
      %dma_start3A_120 = tpu.memref_squeeze %dma_start3A_119 : memref<1x50x128xf32, #tpu.memory_space<vmem>> -> memref<50x128xf32, #tpu.memory_space<vmem>>
      tpu.enqueue_dma source(%dma_start3A_120 : memref<50x128xf32, #tpu.memory_space<vmem>>) target(%dma_start3A_116 : memref<50x128xf32, #tpu.memory_space<hbm>>) target_semaphore(%arg10 : memref<!tpu.dma_semaphore, #tpu.memory_space<semaphore_mem>>)
    }
    %scan3A_29 = arith.constant 128 : i32
    %dma_wait3A_30 = arith.constant 0 : i32
    %dma_wait3A_31 = arith.constant 0 : i32
    %dma_wait3A_32 = arith.constant 0 : i32
    %dma_wait3A_33 = arith.constant 0 : i32
    %dma_wait3A_34 = tpu.memref_slice %arg7[%dma_wait3A_30, %dma_wait3A_32, %dma_wait3A_33] : memref<2x50x128xf32, #tpu.memory_space<vmem>> -> memref<1x50x128xf32, #tpu.memory_space<vmem>>
    %dma_wait3A_35 = tpu.memref_squeeze %dma_wait3A_34 : memref<1x50x128xf32, #tpu.memory_space<vmem>> -> memref<50x128xf32, #tpu.memory_space<vmem>>
    %dma_wait3A_36 = arith.constant 0 : i32
    %dma_wait3A_37 = arith.constant 0 : i32
    %dma_wait3A_38 = tpu.memref_slice %arg4[%dma_wait3A_36, %dma_wait3A_31, %dma_wait3A_37] : memref<50x32x16384xf32, #tpu.memory_space<hbm>> -> memref<50x1x128xf32, #tpu.memory_space<hbm>>
    %dma_wait3A_39 = tpu.memref_squeeze %dma_wait3A_38 : memref<50x1x128xf32, #tpu.memory_space<hbm>> -> memref<50x128xf32, #tpu.memory_space<hbm>>
    %dma_wait3A_40 = arith.constant 0 : i32
    %dma_wait3A_41 = arith.constant 0 : i32
    %dma_wait3A_42 = tpu.memref_slice %arg4[%dma_wait3A_40, %dma_wait3A_31, %dma_wait3A_41] : memref<50x32x16384xf32, #tpu.memory_space<hbm>> -> memref<50x1x128xf32, #tpu.memory_space<hbm>>
    %dma_wait3A_43 = tpu.memref_squeeze %dma_wait3A_42 : memref<50x1x128xf32, #tpu.memory_space<hbm>> -> memref<50x128xf32, #tpu.memory_space<hbm>>
    %dma_wait3A_44 = arith.constant 0 : i32
    %dma_wait3A_45 = arith.constant 0 : i32
    %dma_wait3A_46 = tpu.memref_slice %arg7[%dma_wait3A_30, %dma_wait3A_44, %dma_wait3A_45] : memref<2x50x128xf32, #tpu.memory_space<vmem>> -> memref<1x50x128xf32, #tpu.memory_space<vmem>>
    %dma_wait3A_47 = tpu.memref_squeeze %dma_wait3A_46 : memref<1x50x128xf32, #tpu.memory_space<vmem>> -> memref<50x128xf32, #tpu.memory_space<vmem>>
    tpu.wait_dma2 semaphore(%arg10 : memref<!tpu.dma_semaphore, #tpu.memory_space<semaphore_mem>>) src(%dma_wait3A_47 : memref<50x128xf32, #tpu.memory_space<vmem>>) dst(%dma_wait3A_43 : memref<50x128xf32, #tpu.memory_space<hbm>>)
    %dma_wait3A_48 = arith.constant 0 : i32
    %dma_wait3A_49 = arith.constant 0 : i32
    %dma_wait3A_50 = arith.constant 0 : i32
    %dma_wait3A_51 = arith.constant 0 : i32
    %dma_wait3A_52 = tpu.memref_slice %arg7[%dma_wait3A_48, %dma_wait3A_50, %dma_wait3A_51] : memref<2x50x128xf32, #tpu.memory_space<vmem>> -> memref<1x50x128xf32, #tpu.memory_space<vmem>>
    %dma_wait3A_53 = tpu.memref_squeeze %dma_wait3A_52 : memref<1x50x128xf32, #tpu.memory_space<vmem>> -> memref<50x128xf32, #tpu.memory_space<vmem>>
    %dma_wait3A_54 = arith.constant 0 : i32
    %dma_wait3A_55 = arith.constant 0 : i32
    %dma_wait3A_56 = tpu.memref_slice %arg4[%dma_wait3A_54, %dma_wait3A_49, %dma_wait3A_55] : memref<50x32x16384xf32, #tpu.memory_space<hbm>> -> memref<50x1x128xf32, #tpu.memory_space<hbm>>
    %dma_wait3A_57 = tpu.memref_squeeze %dma_wait3A_56 : memref<50x1x128xf32, #tpu.memory_space<hbm>> -> memref<50x128xf32, #tpu.memory_space<hbm>>
    %dma_wait3A_58 = arith.constant 0 : i32
    %dma_wait3A_59 = arith.constant 0 : i32
    %dma_wait3A_60 = tpu.memref_slice %arg4[%dma_wait3A_58, %dma_wait3A_49, %dma_wait3A_59] : memref<50x32x16384xf32, #tpu.memory_space<hbm>> -> memref<50x1x128xf32, #tpu.memory_space<hbm>>
    %dma_wait3A_61 = tpu.memref_squeeze %dma_wait3A_60 : memref<50x1x128xf32, #tpu.memory_space<hbm>> -> memref<50x128xf32, #tpu.memory_space<hbm>>
    %dma_wait3A_62 = arith.constant 0 : i32
    %dma_wait3A_63 = arith.constant 0 : i32
    %dma_wait3A_64 = tpu.memref_slice %arg7[%dma_wait3A_48, %dma_wait3A_62, %dma_wait3A_63] : memref<2x50x128xf32, #tpu.memory_space<vmem>> -> memref<1x50x128xf32, #tpu.memory_space<vmem>>
    %dma_wait3A_65 = tpu.memref_squeeze %dma_wait3A_64 : memref<1x50x128xf32, #tpu.memory_space<vmem>> -> memref<50x128xf32, #tpu.memory_space<vmem>>
    tpu.wait_dma2 semaphore(%arg10 : memref<!tpu.dma_semaphore, #tpu.memory_space<semaphore_mem>>) src(%dma_wait3A_65 : memref<50x128xf32, #tpu.memory_space<vmem>>) dst(%dma_wait3A_61 : memref<50x128xf32, #tpu.memory_space<hbm>>)
    return
  }
}

</mosaic_0001>

<sc_bundles>
// kernel: kernel.3.cloned.1.call-start
scs
__scs_entry_jumppad:
0x0: {  	(pc) =	sbr.rel $0x88, $3  }
0x1: {  	(tag) =	ssettag $0x0;
	lr =	simm.s32 $0x1  }
0x2: {  	[smem:$0x3F9F] =	sst lr;
	_ =	strace $0xD0000000  }
0x3: {  	_ = 	snop  }
0x4: {  	_ = 	snop  }
0x5: {  	_ = 	snop  }
0x6: {  	_ = 	snop  }
0x7: {  	_ = 	snop  }
__scs_overlays_trampoline_lowered:
0x8: {  	[smem:$0x3FAE] =	sst s0  }
0x9: {  	[smem:$0x3FAF] =	sst s1  }
0xa: {  	[smem:$0x3FB0] =	sst s2  }
0xb: {  	[smem:$0x3FB1] =	sst s3  }
0xc: {  	[smem:$0x3FB2] =	sst s4  }
0xd: {  	[smem:$0x3FB3] =	sst s5  }
0xe: {  	[smem:$0x3FB4] =	sst s6  }
0xf: {  	[smem:$0x3FB5] =	sst s7  }
0x10: {  	[smem:$0x3FB6] =	sst s8  }
0x11: {  	[smem:$0x3FB7] =	sst s9;
	s0 =	simm.s32 @!p0 $0x0  }
0x12: {  	s1 =	sld [smem:$0x3F9D];
	s0 =	simm.s32 @p0 $0x1  }
0x13: {  	[smem:$0x3FB8] =	sst s0;
	s0 =	simm.s32 @!p1 $0x0  }
0x14: {  	s2 =	sld [smem:$0x3F9C];
	s0 =	simm.s32 @p1 $0x1  }
0x15: {  	[smem:$0x3FB9] =	sst s0;
	s0 =	simm.s32 @!p2 $0x0  }
0x16: {  	s3 =	sld [smem:$0x3FDB];
	s0 =	simm.s32 @p2 $0x1  }
0x17: {  	s4 =	simm.s32 $0x1BF5;
	[smem:$0x3FBB] =	sst s0  }
0x18: {  	s0 =	sld [smem:$0x3F9E];
	_ =	swait.ge [sflag:s4], $0x0  }
0x19: {  	s7 =	sld [smem:$0x3F9F]  }
0x1a: {  	s8 =	sadd.s32 $0xFFFFE003, lr  }
0x1b: {  	s9 =	sadd.s32 $0xFFFFFEF7, lr;
	s5 =	simm.s32 $0xFFFFFFFF;
	p2 =	slt.u32 s8, $0xFFFFF086  }
0x1c: {  	p1 =	slt.u32 s9, $0xF7A;
	s5 =	simm.s32 @!p2 $0x0  }
0x1d: {  	s5 =	simm.s32 @p1 $0x1;
	p0 =	seq.s32 s7, s2  }
0x1e: {  	s7 =	smul.u32 @!p0 $0xF7A, s2;
	p2 =	seq.s32 @!p0 s5, $0x0  }
0x1f: {  	s9 =	smul.u32 $0xF7A, s1;
	s8 =	simm.s32 @!p0 $0x1BF5;
	p2 =	por !p2, p0  }
0x20: {  	[sflag:s8] =	ssyncset.s32 @!p0 $0xFFFFF086;
	s6 =	sadd.s32 @!p0 s3, s7;
	s7 =	simm.s32 @!p0 $0x108  }
0x21: {  	s3 =	sadd.s32 s3, s9;
	s6 =	sadd.s32 @!p0 $0x88, s6;
	s7 =	simm.s32 @p2 $0x1082  }
0x22: {  	[simem:s7], [sflag:s8] =	dma.local @!p0 [hbm:s6], $0xF7A  }
0x23: {  	s9 =	sor.u32 $0xD0000000, s2;
	s6 =	simm.s32 $0x108;
	_ =	swait.ge @!p0 [sflag:s8], $0x0  }
0x24: {  	s3 =	sadd.s32 $0x88, s3;
	s6 =	simm.s32 @!p1 $0x1082;
	[sflag:s4] =	ssyncset.s32 $0xFFFFF086  }
0x25: {  	[simem:s6], [sflag:s4] =	dma.local [hbm:s3], $0xF7A  }
0x26: {  	[smem:$0x3F9F] =	sst s1;
	(tag) =	ssettag s2;
	_ =	strace s9  }
0x27: {  	s1 =	sld [smem:$0x3FAF]  }
0x28: {  	s2 =	sld [smem:$0x3FB0]  }
0x29: {  	s4 =	sld [smem:$0x3FB2]  }
0x2a: {  	p0 =	seq.s32 s5, $0x0;
	s5 =	sld [smem:$0x3FB3]  }
0x2b: {  	s6 =	sld [smem:$0x3FB4]  }
0x2c: {  	s7 =	sld [smem:$0x3FB5]  }
0x2d: {  	s3 =	simm.s32 $0x108;
	s8 =	sld [smem:$0x3FB6]  }
0x2e: {  	s3 =	simm.s32 @!p0 $0x1082;
	s9 =	sld [smem:$0x3FB7]  }
0x2f: {  	lr =	sadd.s32 s0, s3;
	s0 =	sld [smem:$0x3FAE]  }
0x30: {  	s3 =	sld [smem:$0x3FB1]  }
0x31: {  	[smem:$0x3FBA] =	sst s10  }
0x32: {  	s10 =	sld [smem:$0x3FB8];
	_ =	sdelay $0x3  }
0x33: {  	p0 =	seq.s32 s10, $0x1;
	s10 =	sld [smem:$0x3FBA];
	_ =	sdelay $0x3  }
0x34: {  	[smem:$0x3FBA] =	sst s10  }
0x35: {  	s10 =	sld [smem:$0x3FB9];
	_ =	sdelay $0x3  }
0x36: {  	p1 =	seq.s32 s10, $0x1;
	s10 =	sld [smem:$0x3FBA];
	_ =	sdelay $0x3  }
0x37: {  	[smem:$0x3FBA] =	sst s10  }
0x38: {  	s10 =	sld [smem:$0x3FBB]  }
0x39: {  	_ = 	snop;
	(pc) =	sbr.ind lr, $3  }
0x3a: {  	_ = 	snop  }
0x3b: {  	_ = 	snop  }
0x3c: {  	p2 =	seq.s32 s10, $0x1;
	s10 =	sld [smem:$0x3FBA]  }
0x3d: {  	_ =	shalt  }
0x3e: {  	_ =	shalt  }
0x3f: {  	_ =	shalt  }
0x40: {  	_ =	shalt  }
0x41: {  	_ =	shalt  }
0x42: {  	_ =	shalt  }
0x43: {  	_ =	shalt  }
0x44: {  	_ =	shalt  }
0x45: {  	_ =	shalt  }
0x46: {  	_ =	shalt  }
0x47: {  	_ =	shalt  }
0x48: {  	_ =	shalt  }
0x49: {  	_ =	shalt  }
0x4a: {  	_ =	shalt  }
0x4b: {  	_ =	shalt  }
0x4c: {  	_ =	shalt  }
0x4d: {  	_ =	shalt  }
0x4e: {  	_ =	shalt  }
0x4f: {  	_ =	shalt  }
0x50: {  	_ =	shalt  }
0x51: {  	_ =	shalt  }
0x52: {  	_ =	shalt  }
0x53: {  	_ =	shalt  }
0x54: {  	_ =	shalt  }
0x55: {  	_ =	shalt  }
0x56: {  	_ =	shalt  }
0x57: {  	_ =	shalt  }
0x58: {  	_ =	shalt  }
0x59: {  	_ =	shalt  }
0x5a: {  	_ =	shalt  }
0x5b: {  	_ =	shalt  }
0x5c: {  	_ =	shalt  }
0x5d: {  	_ =	shalt  }
0x5e: {  	_ =	shalt  }
0x5f: {  	_ =	shalt  }
0x60: {  	_ =	shalt  }
0x61: {  	_ =	shalt  }
0x62: {  	_ =	shalt  }
0x63: {  	_ =	shalt  }
0x64: {  	_ =	shalt  }
0x65: {  	_ =	shalt  }
0x66: {  	_ =	shalt  }
0x67: {  	_ =	shalt  }
0x68: {  	_ =	shalt  }
0x69: {  	_ =	shalt  }
0x6a: {  	_ =	shalt  }
0x6b: {  	_ =	shalt  }
0x6c: {  	_ =	shalt  }
0x6d: {  	_ =	shalt  }
0x6e: {  	_ =	shalt  }
0x6f: {  	_ =	shalt  }
0x70: {  	_ =	shalt  }
0x71: {  	_ =	shalt  }
0x72: {  	_ =	shalt  }
0x73: {  	_ =	shalt  }
0x74: {  	_ =	shalt  }
0x75: {  	_ =	shalt  }
0x76: {  	_ =	shalt  }
0x77: {  	_ =	shalt  }
0x78: {  	_ =	shalt  }
0x79: {  	_ =	shalt  }
0x7a: {  	_ =	shalt  }
0x7b: {  	_ =	shalt  }
0x7c: {  	_ =	shalt  }
0x7d: {  	_ =	shalt  }
0x7e: {  	_ =	shalt  }
0x7f: {  	_ =	shalt  }
0x80: {  	_ =	shalt  }
0x81: {  	_ =	shalt  }
0x82: {  	_ =	shalt  }
0x83: {  	_ =	shalt  }
0x84: {  	_ =	shalt  }
0x85: {  	_ =	shalt  }
0x86: {  	_ =	shalt  }
0x87: {  	_ =	shalt  }
.Lfunc_end0:
.L_simem_size_0:
called_computation_lowered:
.L_overlay_start_0:
0x88: {  	s2 =	sld [smem:$0x3FD9]  }
0x89: {  	s3 =	sld [smem:$0x3FFE];
	_ =	sdelay $0x1  }
0x8a: {  	s1 =	srdreg.scid  }
0x8b: {  	s0 =	sand.u32 $0x1, s1  }
0x8c: {  	s17 =	sshll.u32 s0, $0xA;
	s2 =	sadd.s32 s3, s2  }
0x8d: {  	s2 =	sadd.s32 s2, s17  }
0x8e: {  	[smem:$0x3FC6] =	sst s2  }
0x8f: {  	_ = 	snop  }
0x90: {  	s2 =	sld [smem:$0x3FD0];
	(tm) =	ssettm $0x1  }
0x91: {  	s18 =	sld [smem:$0x3FFB];
	_ =	sdelay $0x3  }
0x92: {  	_ =	strace s18  }
0x93: {  	s3 =	sld [smem:$0x3FFC];
	_ =	sdelay $0x3  }
0x94: {  	_ =	strace s3  }
0x95: {  	s3 =	sld [smem:$0x3FFD];
	_ =	sdelay $0x3  }
0x96: {  	_ =	strace s3  }
0x97: {  	_ =	strace $0x8FFFFFFF  }
0x98: {  	s19 =	sld [smem:$0x3FDB];
	_ =	sdelay $0x1  }
0x99: {  	s4 =	simm.s32 $_scs_section_size  }
0x9a: {  	s5 =	simm.s32 $_size__tile_overlayer_lowered;
	s6 =	simm.s32 $_tile_overlayer_lowered  }
0x9b: {  	s22 =	simm.s32 $0x1BFF;
	s21 =	sshll.u32 s6, $0x1;
	s3 =	sadd.s32 s4, s19  }
0x9c: {  	s7 =	simm.s32 $0x0;
	s20 =	sshll.u32 s5, $0x1;
	s5 =	sadd.s32 s21, s3  }
0x9d: {  	[timem:s7], [sflag:s22] =	dma.local [hbm:s5], s20  }
0x9e: {  	_ =	swait.ge [sflag:s22], s20  }
0x9f: {  	s4 =	ssub.s32 $0x0, s20;
	[sflag:s22] =	ssyncset.done $0x0  }
0xa0: {  	[sflag:s22] =	ssyncadd.s32 s4;
	_ =	sdelay $0x1  }
0xa1: {  	s23 =	simm.s32 $0x1B8B  }
0xa2: {  	_ =	swait.ge [sflag:s23], $0x1  }
0xa3: {  	[sflag:s23] =	ssyncset.done $0x0  }
0xa4: {  	s25 =	simm.s32 $0x1B8E;
	s24 =	sld [smem:$0x3FFE];
	[sflag:s23] =	ssyncadd.s32 $0xFFFFFFFF  }
0xa5: {  	s26 =	simm.s32 $execute0_lowered;
	[smem:$0x3FD2] =	sst s25  }
0xa6: {  	s5 =	sshll.u32 s26, $0x1;
	_ =	strace $0x80000046;
	[dreg:$0x1] =	wrdreg $0xFFFFFFFF  }
0xa7: {  	s28 =	simm.s32 $_size_execute0_lowered;
	s3 =	sadd.s32 s3, s5;
	[dreg:$0x0] =	wrdreg $0x0  }
0xa8: {  	s5 =	sshll.u32 s28, $0x1;
	[dreg:$0x2] =	wrdreg s3  }
0xa9: {  	[dreg:$0x3] =	wrdreg s5  }
0xaa: {  	[dreg:$0x4] =	wrdreg $0xC0  }
0xab: {  	_ =	task [dreg:s7], $0x5FFFF  }
0xac: {  	[dreg:$0x1] =	wrdreg $0xFFFFFFFF  }
0xad: {  	[dreg:$0x0] =	wrdreg $0x60  }
0xae: {  	[dreg:$0x2] =	wrdreg s24  }
0xaf: {  	[dreg:$0x3] =	wrdreg s2  }
0xb0: {  	[dreg:$0x4] =	wrdreg $0x9  }
0xb1: {  	_ =	task.clear_ibuf [dreg:s7], $0x5FFFF;
	_ =	strace $0x90000046  }
0xb2: {  	s29 =	simm.s32 $0x9;
	_ =	strace $0x80000048  }
0xb3: {  	_ =	swait.ge [sflag:s29], $0x1  }
0xb4: {  	[sflag:s29] =	ssyncadd.s32 $0xFFFFFFFF  }
0xb5: {  	_ =	strace $0x90000048  }
0xb6: {  	_ =	sfence  }
0xb7: {  	s30 =	sld [smem:$0x0];
	_ =	sdelay $0x2  }
0xb8: {  	s31 =	sshll.u32 s1, $0xD;
	s1 =	sshrl.u32 s1, $0x2  }
0xb9: {  	s3 =	sand.u32 $0x4000, s31;
	s1 =	sadd.s32 s1, s30  }
0xba: {  	s0 =	sor.u32 s3, s0;
	s1 =	sshll.u32 s1, $0x11  }
0xbb: {  	s0 =	sor.u32 s1, s0  }
0xbc: {  	s0 =	sadd.s32 $0x8F2B, s0  }
0xbd: {  	[sflag:s0] =	ssyncadd.remote.s32 $0x1  }
0xbe: {  	_ =	sfence.sel $0xFFFF  }
0xbf: {  	[dreg:$0x0] =	wrdreg $0xFFFFFFFF;
	(pc) =	sbr.abs _section_cstart, $3  }
0xc0: {  	[dreg:$0x1] =	wrdreg $0xFFFFFFFF  }
0xc1: {  	_ =	task.clear_ibuf [dreg:s7], $0x2FFFF;
	_ =	strace $0x9FFFFFFF  }
0xc2: {  	(tm) =	ssettm $0x7FFFFFFF  }
0xc3: {  	_ =	shalt  }
tec
execute0_lowered:
.L_overlay_start_1:
0x0: {  	(tag) =	ssettag $0x1  }
0x1: {  	s4 =	rddreg [dreg:$0x0]  }
0x2: {  	s5 =	rddreg [dreg:$0x1]  }
0x3: {  	s0 =	rddreg [dreg:$0x2];
	s2 =	simm.s32 $0x0;
	s3 =	srdreg.scid  }
0x4: {  	s1 =	stileid.u32;
	s9 =	simm.s32 $0x18700;
	s10 =	simm.s32 $0x1  }
0x5: {  	s11 =	simm.s32 $0x2;
	s12 =	simm.s32 $0x80000;
	s13 =	simm.s32 $0x3  }
0x6: {  	[smem:$0x7FF] =	sst s2;
	s3 =	sand.u32 $0x1, s3;
	s6 =	sshll.u32 s1, $0x1  }
0x7: {  	s14 =	simm.s32 $0x0;
	_ =	strace $0x80000047;
	s6 =	sor.u32 s3, s6  }
0x8: {  	s8 =	ssub.s32 $0x2, s3;
	s7 =	sshll.u32 s6, $0xB;
	s6 =	smul.u32 $0x30E0, s6  }
0x9: {  	s3 =	sadd.s32 $0x400, s4;
	s31 =	sshrl.u32 s8, $0x1;
	s7 =	sadd.s32 s7, s4  }
0xa: {  	s8 =	ssub.s32 s8, s31;
	s4 =	sadd.s32 s5, s6;
	s5 =	sadd.s32 $0x19400, s7  }
0xb: {  	s6 =	smax.u32 s8, $0x1;
	s7 =	simm.s32 $0x80;
	s8 =	simm.s32 $0x4000  }
.LBB2_1:
0xc: {  	[tilespmem:s2], [sflag:$0x1] =	stream.linear.gather [hbm4b:s4+s2], $0x18700, $0x38;
	[tilespmem:$0x1EB00] =	vst v63  }
0xd: {  	_ = 	snop  }
0xe: {  	[tilespmem:s9], [sflag:$0x2] =	stream.strided.gather [hbm4b:s3+s7], $0x1900, s8, s7, $0x38;
	[tilespmem:$0x1EB00] =	vst v63  }
0xf: {  	_ =	swait.ge [sflag:s10], $0x18700  }
0x10: {  	[sflag:s10] =	ssyncset.done $0x0  }
0x11: {  	p0 =	por $0x0, $0x0;
	s15 =	simm.s32 $0x0;
	[sflag:s10] =	ssyncadd.s32 $0xFFFE7900  }
.LBB2_2:
0x12: {  	s18 =	sand.u32 $0x1, s15;
	p1 =	seq.s32 s15, $0x7F  }
0x13: {  	s16 =	sxor.u32 @!p1 $0x1, s18  }
0x14: {  	s17 =	smul.u32 @!p1 $0x6400, s16  }
0x15: {  	s16 =	sadd.s32 $0x1, s15  }
0x16: {  	s20 =	simm.s32 @!p1 $0x80;
	s19 =	sshll.u32 @!p1 s16, $0x4;
	s17 =	sshrl.u32 @!p1 s17, $0x2  }
0x17: {  	s21 =	simm.s32 @!p1 $0x4000;
	s19 =	sadd.s32 @!p1 s3, s19;
	s17 =	sadd.s32 @!p1 $0x18700, s17  }
0x18: {  	[tilespmem:s17], [sflag:$0x2] =	stream.strided.gather @!p1 [hbm4b:s19+s20], $0x1900, s21, s20, $0x38;
	[tilespmem:$0x1EB00] =	vst v63  }
0x19: {  	s17 =	simm.s32 $0x1;
	_ =	swait.ge [sflag:s11], $0x1900  }
0x1a: {  	p1 =	slt.u32 s15, $0x2;
	s17 =	simm.s32 @!p0 $0x0;
	[sflag:s11] =	ssyncset.done $0x0  }
0x1b: {  	s19 =	simm.s32 @!p1 $0x3;
	s17 =	smul.u32 $0x6400, s17;
	[sflag:s11] =	ssyncadd.s32 $0xFFFFE700  }
0x1c: {  	_ =	swait.ge @!p1 [sflag:s19], $0x1900  }
0x1d: {  	s17 =	sshrl.u32 s17, $0x2;
	[sflag:s19] =	ssyncset.done @!p1 $0x0  }
0x1e: {  	s31 =	sadd.s32 $0x18740, s17;
	[sflag:s19] =	ssyncadd.s32 @!p1 $0xFFFFE700  }
0x1f: {  	v0 =	vld [tilespmem:s31+$0x30]  }
0x20: {  	v1 =	vld [tilespmem:s31+$0xFFFFFFD0]  }
0x21: {  	v2 =	vld [tilespmem:s31+$0xFFFFFFE0]  }
0x22: {  	v3 =	vld [tilespmem:s31+$0xFFFFFFF0]  }
0x23: {  	v5 =	vld [tilespmem:s31+$0x0]  }
0x24: {  	v6 =	vld [tilespmem:s31+$0x10]  }
0x25: {  	v7 =	vld [tilespmem:s31+$0x20]  }
0x26: {  	v8 =	vld [tilespmem:s31+$0xFFFFFFC0]  }
0x27: {  	v9 =	vld.idx.msk [tilespmem:v0+s2+$0x0], $0xffff  }
0x28: {  	v10 =	vld.idx.msk [tilespmem:v1+s2+$0x0], $0xffff  }
0x29: {  	v4 =	vld.idx.msk [tilespmem:v2+s2+$0x0], $0xffff  }
0x2a: {  	v1 =	vld.idx.msk [tilespmem:v3+s2+$0x0], $0xffff  }
0x2b: {  	v0 =	vld.idx.msk [tilespmem:v5+s2+$0x0], $0xffff  }
0x2c: {  	s18 =	smul.u32 $0x1900, s18;
	s17 =	sadd.s32 $0x1B940, s17;
	v2 =	vld.idx.msk [tilespmem:v6+s2+$0x0], $0xffff  }
0x2d: {  	v3 =	vld.idx.msk [tilespmem:v7+s2+$0x0], $0xffff;
	[tilespmem:s17+$0x30] =	vst v9  }
0x2e: {  	s18 =	sadd.s32 $0x1B900, s18;
	s19 =	simm.s32 $0x0;
	s20 =	sadd.s32 $0x80, s31;
	v5 =	vld.idx.msk [tilespmem:v8+s2+$0x0], $0xffff;
	[tilespmem:s17+$0xFFFFFFD0] =	vst v10  }
.LBB2_3:
0x2f: {  	v6 =	vld [tilespmem:s20+$0x30];
	s19 =	sadd.s32 $0x8, s19;
	[tilespmem:s17+$0xFFFFFFE0] =	vst v4  }
0x30: {  	v4 =	vld [tilespmem:s20+$0xFFFFFFD0];
	p1 =	slt.u32 s19, $0x188;
	[tilespmem:s17+$0xFFFFFFF0] =	vst v1  }
0x31: {  	v1 =	vld [tilespmem:s20+$0xFFFFFFE0];
	[tilespmem:s17+$0x0] =	vst v0  }
0x32: {  	v0 =	vld [tilespmem:s20+$0xFFFFFFF0];
	[tilespmem:s17+$0x10] =	vst v2  }
0x33: {  	v2 =	vld [tilespmem:s20+$0x0];
	[tilespmem:s17+$0x20] =	vst v3  }
0x34: {  	v3 =	vld [tilespmem:s20+$0x10];
	[tilespmem:s17+$0xFFFFFFC0] =	vst v5  }
0x35: {  	v5 =	vld [tilespmem:s20+$0x20]  }
0x36: {  	v7 =	vld [tilespmem:s20+$0xFFFFFFC0]  }
0x37: {  	v6 =	vld.idx.msk [tilespmem:v6+s2+$0x0], $0xffff  }
0x38: {  	v8 =	vld.idx.msk [tilespmem:v4+s2+$0x0], $0xffff  }
0x39: {  	v4 =	vld.idx.msk [tilespmem:v1+s2+$0x0], $0xffff  }
.Ltmp0:
0x3a: {  	v1 =	vld.idx.msk [tilespmem:v0+s2+$0x0], $0xffff;
	(pc) =	sbr.rel @p1 .LBB2_3-.Ltmp0, $4  }
0x3b: {  	v0 =	vld.idx.msk [tilespmem:v2+s2+$0x0], $0xffff  }
0x3c: {  	s17 =	sadd.s32 $0x80, s17;
	v2 =	vld.idx.msk [tilespmem:v3+s2+$0x0], $0xffff  }
0x3d: {  	v3 =	vld.idx.msk [tilespmem:v5+s2+$0x0], $0xffff;
	[tilespmem:s17+$0x30] =	vst v6  }
0x3e: {  	s20 =	sadd.s32 $0x80, s20;
	v5 =	vld.idx.msk [tilespmem:v7+s2+$0x0], $0xffff;
	[tilespmem:s17+$0xFFFFFFD0] =	vst v8  }
0x3f: {  	[tilespmem:s17+$0xFFFFFFE0] =	vst v4  }
0x40: {  	[tilespmem:s17+$0xFFFFFFF0] =	vst v1  }
0x41: {  	p1 =	sne.s32 s16, $0x80;
	[tilespmem:s17+$0x0] =	vst v0  }
.Ltmp1:
0x42: {  	[tilespmem:s17+$0x10] =	vst v2;
	(pc) =	sbr.rel @p1 .LBB2_2-.Ltmp1, $4  }
0x43: {  	s15 =	sshll.u32 s15, $0x4;
	[tilespmem:s17+$0x20] =	vst v3  }
0x44: {  	s15 =	sadd.s32 s15, s5;
	[tilespmem:s17+$0xFFFFFFC0] =	vst v5  }
0x45: {  	[hbm4b:s15+s7] =	stream.strided.scatter [tilespmem:s18], [sflag:$0x3], $0x1900, s12, s7, $0x38;
	[tilespmem:$0x1EB00] =	vst v63  }
0x46: {  	p0 =	por !p0, !p0;
	s15 =	smov.u32 s16  }
0x47: {  	s14 =	sadd.s32 $0x1, s14  }
0x48: {  	_ =	swait.ge [sflag:s13], $0x1900;
	p0 =	sne.s32 s14, s6  }
.Ltmp2:
0x49: {  	[sflag:s13] =	ssyncset.done $0x0;
	(pc) =	sbr.rel @p0 .LBB2_1-.Ltmp2, $4  }
0x4a: {  	[sflag:s13] =	ssyncadd.s32 $0xFFFFE700  }
0x4b: {  	_ =	swait.ge [sflag:s13], $0x1900  }
0x4c: {  	[sflag:s13] =	ssyncset.done $0x0  }
0x4d: {  	[sflag:s13] =	ssyncadd.s32 $0xFFFFE700  }
0x4e: {  	_ =	sfence.sel $0x180000  }
0x4f: {  	[bflag:$0x0] =	sbarrier.arrive $0xFFFF  }
0x50: {  	p0 =	sne.s32 s1, $0x0;
	_ =	strace $0x90000047  }
0x51: {  	s0 =	sadd.s32 @!p0 $0x100000, s0;
	[bflag:$0x2] =	sbarrier.arrive $0xFFFF  }
0x52: {  	[sflag:s0] =	ssyncadd.tile.s32 @!p0 $0x1;
	_ =	shalt  }
.Lfunc_end2:
_tile_overlayer_lowered:
.L_overlay_start_2:
0x53: {  	(tag) =	ssettag $0x2  }
0x54: {  	s0 =	rddreg [dreg:$0x0];
	s2 =	stileid.u32  }
0x55: {  	s1 =	rddreg [dreg:$0x1];
	p0 =	sne.s32 s2, $0x0  }
0x56: {  	s3 =	rddreg [dreg:$0x2];
	[bflag:$0x3] =	sbarrier.arrive $0xFFFF;
	s2 =	simm.s32 @!p0 $0x1C04  }
0x57: {  	[timem:s3], [sflag:s2] =	dma.local @!p0 [hbm:s0], s1  }
0x58: {  	s0 =	simm.s32 @!p0 $0x4  }
0x59: {  	_ =	swait.ge @!p0 [sflag:s0], s1  }
0x5a: {  	s1 =	ssub.s32 @!p0 $0x0, s1;
	[sflag:s0] =	ssyncset.done @!p0 $0x0  }
0x5b: {  	[sflag:s0] =	ssyncadd.s32 @!p0 s1  }
0x5c: {  	[bflag:$0x3] =	sbarrier.arrive $0xFFFF  }
0x5d: {  	_ =	shalt  }

</sc_bundles>
